<compile_context>
chip_gen: v7x
topology: tpu7x:2x2x1
jax: 0.10.2.dev20260603
libtpu: 0.0.44.dev20260713+nightly
codegen_flags: <defaults>
</compile_context>

<pallas_src>
import functools

import jax
import jax.numpy as jnp
from jax import lax
from jax.experimental import pallas as pl
from jax.experimental.pallas import tpu as pltpu
from jax.experimental.pallas import tpu_sc as plsc

_N = 1048576
_S = 8192
_NC = 2
_NS = 16
_NW = _NC * _NS
_CHUNK = _N // _NW
_L = 16
_EPS = 1e-8


def _sc_partials(preds, target, batch_map):
  mesh = plsc.VectorSubcoreMesh(core_axis_name="c", subcore_axis_name="s")

  @functools.partial(
      pl.kernel,
      mesh=mesh,
      out_type=jax.ShapeDtypeStruct((3, _NW, _S), jnp.float32),
      compiler_params=pltpu.CompilerParams(
          use_tc_tiling_on_sc=False, needs_layout_passes=False),
      scratch_types=[
          pltpu.VMEM((_CHUNK,), jnp.float32),
          pltpu.VMEM((_CHUNK,), jnp.float32),
          pltpu.VMEM((_CHUNK + _L,), jnp.int32),
          pltpu.VMEM((_S,), jnp.float32),
          pltpu.VMEM((_S,), jnp.float32),
          pltpu.VMEM((_S,), jnp.float32),
          pltpu.SemaphoreType.DMA,
      ],
  )
  def sc_kernel(preds_hbm, target_hbm, ids_hbm, out_hbm,
                p_v, t_v, i_v, acc_p, acc_t, acc_d, sem):
    wid = lax.axis_index("s") * _NC + lax.axis_index("c")
    base = wid * _CHUNK
    c1 = pltpu.async_copy(preds_hbm.at[pl.ds(base, _CHUNK)], p_v, sem)
    c2 = pltpu.async_copy(target_hbm.at[pl.ds(base, _CHUNK)], t_v, sem)
    c3 = pltpu.async_copy(
        ids_hbm.at[pl.ds(base, _CHUNK)], i_v.at[pl.ds(0, _CHUNK)], sem)
    i_v[pl.ds(_CHUNK, _L)] = jnp.zeros((_L,), jnp.int32)

    zeros = jnp.zeros((_L,), jnp.float32)

    def zero_body(j, _):
      acc_p[pl.ds(j * _L, _L)] = zeros
      acc_t[pl.ds(j * _L, _L)] = zeros
      acc_d[pl.ds(j * _L, _L)] = zeros
      return _

    lax.fori_loop(0, _S // _L, zero_body, None, unroll=4)
    c1.wait()
    c2.wait()
    c3.wait()

    id0 = i_v[pl.ds(0, _L)]

    def body(j, state):
      idc, runp, runt, rund = state
      off = j * _L
      pv = p_v[pl.ds(off, _L)]
      tv = t_v[pl.ds(off, _L)]
      idn = i_v[pl.ds(off + _L, _L)]
      m = idc != idn

      def one(acc, run, prod):
        nr = run + prod
        plsc.addupdate_scatter(acc, [idc], nr, mask=m)
        return jnp.where(m, 0.0, nr)

      runp = one(acc_p, runp, pv * pv)
      runt = one(acc_t, runt, tv * tv)
      rund = one(acc_d, rund, pv * tv)
      return idn, runp, runt, rund

    idc, runp, runt, rund = lax.fori_loop(
        0, _CHUNK // _L, body, (id0, zeros, zeros, zeros), unroll=4)
    plsc.addupdate_scatter(acc_p, [idc], runp)
    plsc.addupdate_scatter(acc_t, [idc], runt)
    plsc.addupdate_scatter(acc_d, [idc], rund)

    pltpu.sync_copy(acc_p, out_hbm.at[0, wid])
    pltpu.sync_copy(acc_t, out_hbm.at[1, wid])
    pltpu.sync_copy(acc_d, out_hbm.at[2, wid])

  return sc_kernel(preds, target, batch_map)


def _tc_finish(parts):

  def tc_kernel(parts_ref, out_ref):
    sp = jnp.sum(parts_ref[0], axis=0)
    st = jnp.sum(parts_ref[1], axis=0)
    dot = jnp.sum(parts_ref[2], axis=0)
    pn = jnp.sqrt(sp) + _EPS
    tn = jnp.sqrt(st) + _EPS
    cos = jnp.clip(dot / (pn * tn), -1.0, 1.0)
    out_ref[0, 0] = 1.0 - jnp.sum(cos) / _S

  return pl.pallas_call(
      tc_kernel,
      out_shape=jax.ShapeDtypeStruct((1, 1), jnp.float32),
      out_specs=pl.BlockSpec(memory_space=pltpu.SMEM),
  )(parts)


def kernel(preds, target, batch_map):
  return _tc_finish(_sc_partials(preds, target, batch_map))[0, 0]

# --- scband reference (transcript-rebuilt; emitter-appended) ---
"""Pipeline reference for scband-cosine-distance-loss-63780264345906 (READ-ONLY COPY).

The authoritative reference and input builder live on the scoring server;
editing this copy changes nothing except your own understanding.
"""

import jax, jax.numpy as jnp
import numpy as np

N = 1048576
NUM_SEGMENTS = 8192


def setup_inputs(seed: int = 0) -> dict:
    key = jax.random.key(seed)
    k1, k2, k3 = jax.random.split(key, 3)
    preds = jax.random.normal(k1, (N,), dtype=jnp.float32)
    target = jax.random.normal(k2, (N,), dtype=jnp.float32)
    batch_map = jnp.sort(jax.random.randint(k3, (N,), 0, NUM_SEGMENTS, dtype=jnp.int32))
    return {"preds": preds, "target": target, "batch_map": batch_map}


def reference(preds, target, batch_map):
    eps = 1e-08
    preds_norm = jnp.sqrt(jax.ops.segment_sum(jnp.square(preds), batch_map, num_segments=NUM_SEGMENTS)) + eps
    target_norm = jnp.sqrt(jax.ops.segment_sum(jnp.square(target), batch_map, num_segments=NUM_SEGMENTS)) + eps
    dot_product = jax.ops.segment_sum(preds * target, batch_map, num_segments=NUM_SEGMENTS)
    cosine = jnp.clip(dot_product / (preds_norm * target_norm), -1.0, 1.0)
    cosine_distance = 1.0 - cosine
    return jnp.mean(cosine_distance)

if __name__ == "__main__":
    import jax
    _d = setup_inputs()
    print(jax.jit(kernel)(*tuple(_d.values())))

</pallas_src>

<mosaic_0001>
#map = affine_map<(d0, d1) -> (0)>
#map1 = affine_map<(d0, d1) -> (0, 0, 0)>
module attributes {stable_mosaic.version = 14 : i64} {
  func.func @sc_kernel(%arg0: i32, %arg1: i32, %arg2: memref<1048576xf32, #tpu.memory_space<hbm>>, %arg3: memref<1048576xf32, #tpu.memory_space<hbm>>, %arg4: memref<1048576xi32, #tpu.memory_space<hbm>>, %arg5: memref<3x32x8192xf32, #tpu.memory_space<hbm>>, %arg6: memref<32768xf32, #tpu.memory_space<vmem>>, %arg7: memref<32768xf32, #tpu.memory_space<vmem>>, %arg8: memref<32784xi32, #tpu.memory_space<vmem>>, %arg9: memref<8192xf32, #tpu.memory_space<vmem>>, %arg10: memref<8192xf32, #tpu.memory_space<vmem>>, %arg11: memref<8192xf32, #tpu.memory_space<vmem>>, %arg12: memref<!tpu.dma_semaphore, #tpu.memory_space<semaphore_mem>>) attributes {dimension_semantics = [#tpu.dimension_semantics<core_parallel>, #tpu.dimension_semantics<subcore_parallel>], iteration_bounds = array<i64: 2, 16>, scalar_prefetch = 0 : i64, scratch_operands = 7 : i64, tpu.core_type = #tpu.core_type<sc_vector_subcore>, window_params = [{transform_indices = #map}, {transform_indices = #map}, {transform_indices = #map}, {transform_indices = #map1}]} {
    %mul3A = arith.constant 2 : i32
    %mul3A_0 = arith.muli %arg1, %mul3A : i32
    %add3A = arith.addi %mul3A_0, %arg0 : i32
    %mul3A_1 = arith.constant 32768 : i32
    %mul3A_2 = arith.muli %add3A, %mul3A_1 : i32
    %dma_start3A = tpu.memref_slice %arg2[%mul3A_2] : memref<1048576xf32, #tpu.memory_space<hbm>> -> memref<32768xf32, #tpu.memory_space<hbm>>
    %dma_start3A_3 = tpu.memref_slice %arg2[%mul3A_2] : memref<1048576xf32, #tpu.memory_space<hbm>> -> memref<32768xf32, #tpu.memory_space<hbm>>
    tpu.enqueue_dma source(%dma_start3A_3 : memref<32768xf32, #tpu.memory_space<hbm>>) target(%arg6 : memref<32768xf32, #tpu.memory_space<vmem>>) target_semaphore(%arg12 : memref<!tpu.dma_semaphore, #tpu.memory_space<semaphore_mem>>)
    %dma_start3A_4 = tpu.memref_slice %arg3[%mul3A_2] : memref<1048576xf32, #tpu.memory_space<hbm>> -> memref<32768xf32, #tpu.memory_space<hbm>>
    %dma_start3A_5 = tpu.memref_slice %arg3[%mul3A_2] : memref<1048576xf32, #tpu.memory_space<hbm>> -> memref<32768xf32, #tpu.memory_space<hbm>>
    tpu.enqueue_dma source(%dma_start3A_5 : memref<32768xf32, #tpu.memory_space<hbm>>) target(%arg7 : memref<32768xf32, #tpu.memory_space<vmem>>) target_semaphore(%arg12 : memref<!tpu.dma_semaphore, #tpu.memory_space<semaphore_mem>>)
    %dma_start3A_6 = arith.constant 0 : i32
    %dma_start3A_7 = tpu.memref_slice %arg8[%dma_start3A_6] : memref<32784xi32, #tpu.memory_space<vmem>> -> memref<32768xi32, #tpu.memory_space<vmem>>
    %dma_start3A_8 = tpu.memref_slice %arg4[%mul3A_2] : memref<1048576xi32, #tpu.memory_space<hbm>> -> memref<32768xi32, #tpu.memory_space<hbm>>
    %dma_start3A_9 = arith.constant 0 : i32
    %dma_start3A_10 = tpu.memref_slice %arg8[%dma_start3A_9] : memref<32784xi32, #tpu.memory_space<vmem>> -> memref<32768xi32, #tpu.memory_space<vmem>>
    %dma_start3A_11 = tpu.memref_slice %arg4[%mul3A_2] : memref<1048576xi32, #tpu.memory_space<hbm>> -> memref<32768xi32, #tpu.memory_space<hbm>>
    tpu.enqueue_dma source(%dma_start3A_11 : memref<32768xi32, #tpu.memory_space<hbm>>) target(%dma_start3A_10 : memref<32768xi32, #tpu.memory_space<vmem>>) target_semaphore(%arg12 : memref<!tpu.dma_semaphore, #tpu.memory_space<semaphore_mem>>)
    %broadcast_in_dim3A = arith.constant 0 : i32
    %broadcast_in_dim3A_12 = vector.broadcast %broadcast_in_dim3A : i32 to vector<16xi32>
    %swap3A = arith.constant 32768 : index
    %swap3A_13 = tpu.vector_load %arg8[%swap3A] {strides = array<i32>} : memref<32784xi32, #tpu.memory_space<vmem>>, vector<16xi32>,
    tpu.vector_store %arg8[%swap3A], %broadcast_in_dim3A_12 {strides = array<i32>} : memref<32784xi32, #tpu.memory_space<vmem>>, vector<16xi32>,
    %broadcast_in_dim3A_14 = arith.constant 0.000000e+00 : f32
    %broadcast_in_dim3A_15 = vector.broadcast %broadcast_in_dim3A_14 : f32 to vector<16xf32>
    %scan3A = arith.constant 0 : i32
    %scan3A_16 = arith.constant 512 : i32
    %scan3A_17 = arith.addi %scan3A, %scan3A_16 : i32
    %scan3A_18 = arith.constant 4 : i32
    scf.for %scan3A_38 = %scan3A to %scan3A_17 step %scan3A_18  : i32 {
      %mul3A_39 = arith.constant 16 : i32
      %mul3A_40 = arith.muli %scan3A_38, %mul3A_39 : i32
      %swap3A_41 = arith.index_cast %mul3A_40 : i32 to index
      %swap3A_42 = tpu.vector_load %arg9[%swap3A_41] {strides = array<i32>} : memref<8192xf32, #tpu.memory_space<vmem>>, vector<16xf32>,
      tpu.vector_store %arg9[%swap3A_41], %broadcast_in_dim3A_15 {strides = array<i32>} : memref<8192xf32, #tpu.memory_space<vmem>>, vector<16xf32>,
      %mul3A_43 = arith.constant 16 : i32
      %mul3A_44 = arith.muli %scan3A_38, %mul3A_43 : i32
      %swap3A_45 = arith.index_cast %mul3A_44 : i32 to index
      %swap3A_46 = tpu.vector_load %arg10[%swap3A_45] {strides = array<i32>} : memref<8192xf32, #tpu.memory_space<vmem>>, vector<16xf32>,
      tpu.vector_store %arg10[%swap3A_45], %broadcast_in_dim3A_15 {strides = array<i32>} : memref<8192xf32, #tpu.memory_space<vmem>>, vector<16xf32>,
      %mul3A_47 = arith.constant 16 : i32
      %mul3A_48 = arith.muli %scan3A_38, %mul3A_47 : i32
      %swap3A_49 = arith.index_cast %mul3A_48 : i32 to index
      %swap3A_50 = tpu.vector_load %arg11[%swap3A_49] {strides = array<i32>} : memref<8192xf32, #tpu.memory_space<vmem>>, vector<16xf32>,
      tpu.vector_store %arg11[%swap3A_49], %broadcast_in_dim3A_15 {strides = array<i32>} : memref<8192xf32, #tpu.memory_space<vmem>>, vector<16xf32>,
      %scan3A_51 = arith.constant 1 : i32
      %scan3A_52 = arith.addi %scan3A_38, %scan3A_51 : i32
      %mul3A_53 = arith.constant 16 : i32
      %mul3A_54 = arith.muli %scan3A_52, %mul3A_53 : i32
      %swap3A_55 = arith.index_cast %mul3A_54 : i32 to index
      %swap3A_56 = tpu.vector_load %arg9[%swap3A_55] {strides = array<i32>} : memref<8192xf32, #tpu.memory_space<vmem>>, vector<16xf32>,
      tpu.vector_store %arg9[%swap3A_55], %broadcast_in_dim3A_15 {strides = array<i32>} : memref<8192xf32, #tpu.memory_space<vmem>>, vector<16xf32>,
      %mul3A_57 = arith.constant 16 : i32
      %mul3A_58 = arith.muli %scan3A_52, %mul3A_57 : i32
      %swap3A_59 = arith.index_cast %mul3A_58 : i32 to index
      %swap3A_60 = tpu.vector_load %arg10[%swap3A_59] {strides = array<i32>} : memref<8192xf32, #tpu.memory_space<vmem>>, vector<16xf32>,
      tpu.vector_store %arg10[%swap3A_59], %broadcast_in_dim3A_15 {strides = array<i32>} : memref<8192xf32, #tpu.memory_space<vmem>>, vector<16xf32>,
      %mul3A_61 = arith.constant 16 : i32
      %mul3A_62 = arith.muli %scan3A_52, %mul3A_61 : i32
      %swap3A_63 = arith.index_cast %mul3A_62 : i32 to index
      %swap3A_64 = tpu.vector_load %arg11[%swap3A_63] {strides = array<i32>} : memref<8192xf32, #tpu.memory_space<vmem>>, vector<16xf32>,
      tpu.vector_store %arg11[%swap3A_63], %broadcast_in_dim3A_15 {strides = array<i32>} : memref<8192xf32, #tpu.memory_space<vmem>>, vector<16xf32>,
      %scan3A_65 = arith.constant 2 : i32
      %scan3A_66 = arith.addi %scan3A_38, %scan3A_65 : i32
      %mul3A_67 = arith.constant 16 : i32
      %mul3A_68 = arith.muli %scan3A_66, %mul3A_67 : i32
      %swap3A_69 = arith.index_cast %mul3A_68 : i32 to index
      %swap3A_70 = tpu.vector_load %arg9[%swap3A_69] {strides = array<i32>} : memref<8192xf32, #tpu.memory_space<vmem>>, vector<16xf32>,
      tpu.vector_store %arg9[%swap3A_69], %broadcast_in_dim3A_15 {strides = array<i32>} : memref<8192xf32, #tpu.memory_space<vmem>>, vector<16xf32>,
      %mul3A_71 = arith.constant 16 : i32
      %mul3A_72 = arith.muli %scan3A_66, %mul3A_71 : i32
      %swap3A_73 = arith.index_cast %mul3A_72 : i32 to index
      %swap3A_74 = tpu.vector_load %arg10[%swap3A_73] {strides = array<i32>} : memref<8192xf32, #tpu.memory_space<vmem>>, vector<16xf32>,
      tpu.vector_store %arg10[%swap3A_73], %broadcast_in_dim3A_15 {strides = array<i32>} : memref<8192xf32, #tpu.memory_space<vmem>>, vector<16xf32>,
      %mul3A_75 = arith.constant 16 : i32
      %mul3A_76 = arith.muli %scan3A_66, %mul3A_75 : i32
      %swap3A_77 = arith.index_cast %mul3A_76 : i32 to index
      %swap3A_78 = tpu.vector_load %arg11[%swap3A_77] {strides = array<i32>} : memref<8192xf32, #tpu.memory_space<vmem>>, vector<16xf32>,
      tpu.vector_store %arg11[%swap3A_77], %broadcast_in_dim3A_15 {strides = array<i32>} : memref<8192xf32, #tpu.memory_space<vmem>>, vector<16xf32>,
      %scan3A_79 = arith.constant 3 : i32
      %scan3A_80 = arith.addi %scan3A_38, %scan3A_79 : i32
      %mul3A_81 = arith.constant 16 : i32
      %mul3A_82 = arith.muli %scan3A_80, %mul3A_81 : i32
      %swap3A_83 = arith.index_cast %mul3A_82 : i32 to index
      %swap3A_84 = tpu.vector_load %arg9[%swap3A_83] {strides = array<i32>} : memref<8192xf32, #tpu.memory_space<vmem>>, vector<16xf32>,
      tpu.vector_store %arg9[%swap3A_83], %broadcast_in_dim3A_15 {strides = array<i32>} : memref<8192xf32, #tpu.memory_space<vmem>>, vector<16xf32>,
      %mul3A_85 = arith.constant 16 : i32
      %mul3A_86 = arith.muli %scan3A_80, %mul3A_85 : i32
      %swap3A_87 = arith.index_cast %mul3A_86 : i32 to index
      %swap3A_88 = tpu.vector_load %arg10[%swap3A_87] {strides = array<i32>} : memref<8192xf32, #tpu.memory_space<vmem>>, vector<16xf32>,
      tpu.vector_store %arg10[%swap3A_87], %broadcast_in_dim3A_15 {strides = array<i32>} : memref<8192xf32, #tpu.memory_space<vmem>>, vector<16xf32>,
      %mul3A_89 = arith.constant 16 : i32
      %mul3A_90 = arith.muli %scan3A_80, %mul3A_89 : i32
      %swap3A_91 = arith.index_cast %mul3A_90 : i32 to index
      %swap3A_92 = tpu.vector_load %arg11[%swap3A_91] {strides = array<i32>} : memref<8192xf32, #tpu.memory_space<vmem>>, vector<16xf32>,
      tpu.vector_store %arg11[%swap3A_91], %broadcast_in_dim3A_15 {strides = array<i32>} : memref<8192xf32, #tpu.memory_space<vmem>>, vector<16xf32>,
    }
    %scan3A_19 = arith.constant 512 : i32
    %dma_wait3A = tpu.memref_slice %arg2[%mul3A_2] : memref<1048576xf32, #tpu.memory_space<hbm>> -> memref<32768xf32, #tpu.memory_space<hbm>>
    %dma_wait3A_20 = tpu.memref_slice %arg2[%mul3A_2] : memref<1048576xf32, #tpu.memory_space<hbm>> -> memref<32768xf32, #tpu.memory_space<hbm>>
    tpu.wait_dma2 semaphore(%arg12 : memref<!tpu.dma_semaphore, #tpu.memory_space<semaphore_mem>>) src(%dma_wait3A_20 : memref<32768xf32, #tpu.memory_space<hbm>>) dst(%arg6 : memref<32768xf32, #tpu.memory_space<vmem>>)
    %dma_wait3A_21 = tpu.memref_slice %arg3[%mul3A_2] : memref<1048576xf32, #tpu.memory_space<hbm>> -> memref<32768xf32, #tpu.memory_space<hbm>>
    %dma_wait3A_22 = tpu.memref_slice %arg3[%mul3A_2] : memref<1048576xf32, #tpu.memory_space<hbm>> -> memref<32768xf32, #tpu.memory_space<hbm>>
    tpu.wait_dma2 semaphore(%arg12 : memref<!tpu.dma_semaphore, #tpu.memory_space<semaphore_mem>>) src(%dma_wait3A_22 : memref<32768xf32, #tpu.memory_space<hbm>>) dst(%arg7 : memref<32768xf32, #tpu.memory_space<vmem>>)
    %dma_wait3A_23 = arith.constant 0 : i32
    %dma_wait3A_24 = tpu.memref_slice %arg8[%dma_wait3A_23] : memref<32784xi32, #tpu.memory_space<vmem>> -> memref<32768xi32, #tpu.memory_space<vmem>>
    %dma_wait3A_25 = tpu.memref_slice %arg4[%mul3A_2] : memref<1048576xi32, #tpu.memory_space<hbm>> -> memref<32768xi32, #tpu.memory_space<hbm>>
    %dma_wait3A_26 = arith.constant 0 : i32
    %dma_wait3A_27 = tpu.memref_slice %arg8[%dma_wait3A_26] : memref<32784xi32, #tpu.memory_space<vmem>> -> memref<32768xi32, #tpu.memory_space<vmem>>
    %dma_wait3A_28 = tpu.memref_slice %arg4[%mul3A_2] : memref<1048576xi32, #tpu.memory_space<hbm>> -> memref<32768xi32, #tpu.memory_space<hbm>>
    tpu.wait_dma2 semaphore(%arg12 : memref<!tpu.dma_semaphore, #tpu.memory_space<semaphore_mem>>) src(%dma_wait3A_28 : memref<32768xi32, #tpu.memory_space<hbm>>) dst(%dma_wait3A_27 : memref<32768xi32, #tpu.memory_space<vmem>>)
    %get3A = arith.constant 0 : index
    %get3A_29 = tpu.vector_load %arg8[%get3A] {strides = array<i32>} : memref<32784xi32, #tpu.memory_space<vmem>>, vector<16xi32>,
    %scan3A_30 = arith.constant 0 : i32
    %scan3A_31 = arith.constant 2048 : i32
    %scan3A_32 = arith.addi %scan3A_30, %scan3A_31 : i32
    %scan3A_33 = arith.constant 4 : i32
    %scan3A_34:4 = scf.for %scan3A_38 = %scan3A_30 to %scan3A_32 step %scan3A_33 iter_args(%scan3A_39 = %get3A_29, %scan3A_40 = %broadcast_in_dim3A_15, %scan3A_41 = %broadcast_in_dim3A_15, %scan3A_42 = %broadcast_in_dim3A_15) -> (vector<16xi32>, vector<16xf32>, vector<16xf32>, vector<16xf32>)  : i32 {
      %mul3A_43 = arith.constant 16 : i32
      %mul3A_44 = arith.muli %scan3A_38, %mul3A_43 : i32
      %get3A_45 = arith.index_cast %mul3A_44 : i32 to index
      %get3A_46 = tpu.vector_load %arg6[%get3A_45] {strides = array<i32>} : memref<32768xf32, #tpu.memory_space<vmem>>, vector<16xf32>,
      %get3A_47 = arith.index_cast %mul3A_44 : i32 to index
      %get3A_48 = tpu.vector_load %arg7[%get3A_47] {strides = array<i32>} : memref<32768xf32, #tpu.memory_space<vmem>>, vector<16xf32>,
      %add3A_49 = arith.constant 16 : i32
      %add3A_50 = arith.addi %mul3A_44, %add3A_49 : i32
      %get3A_51 = arith.index_cast %add3A_50 : i32 to index
      %get3A_52 = tpu.vector_load %arg8[%get3A_51] {strides = array<i32>} : memref<32784xi32, #tpu.memory_space<vmem>>, vector<16xi32>,
      %ne3A = arith.cmpi ne, %scan3A_39, %get3A_52 : vector<16xi32>
      %mul3A_53 = arith.mulf %get3A_46, %get3A_46 : vector<16xf32>
      %add3A_54 = arith.addf %scan3A_40, %mul3A_53 : vector<16xf32>
      tpu.vector_store_idx %arg9[%scan3A_39], %add3A_54 masked %ne3A {add = true} : memref<8192xf32, #tpu.memory_space<vmem>>[vector<16xi32>], vector<16xf32>, vector<16xi1>
      %jit3A = arith.constant 0.000000e+00 : f32
      %broadcast_in_dim3A_55 = vector.broadcast %jit3A : f32 to vector<16xf32>
      %select_n3A = arith.select %ne3A, %broadcast_in_dim3A_55, %add3A_54 : vector<16xi1>, vector<16xf32>
      %mul3A_56 = arith.mulf %get3A_48, %get3A_48 : vector<16xf32>
      %add3A_57 = arith.addf %scan3A_41, %mul3A_56 : vector<16xf32>
      tpu.vector_store_idx %arg10[%scan3A_39], %add3A_57 masked %ne3A {add = true} : memref<8192xf32, #tpu.memory_space<vmem>>[vector<16xi32>], vector<16xf32>, vector<16xi1>
      %jit3A_58 = arith.constant 0.000000e+00 : f32
      %broadcast_in_dim3A_59 = vector.broadcast %jit3A_58 : f32 to vector<16xf32>
      %select_n3A_60 = arith.select %ne3A, %broadcast_in_dim3A_59, %add3A_57 : vector<16xi1>, vector<16xf32>
      %mul3A_61 = arith.mulf %get3A_46, %get3A_48 : vector<16xf32>
      %add3A_62 = arith.addf %scan3A_42, %mul3A_61 : vector<16xf32>
      tpu.vector_store_idx %arg11[%scan3A_39], %add3A_62 masked %ne3A {add = true} : memref<8192xf32, #tpu.memory_space<vmem>>[vector<16xi32>], vector<16xf32>, vector<16xi1>
      %jit3A_63 = arith.constant 0.000000e+00 : f32
      %broadcast_in_dim3A_64 = vector.broadcast %jit3A_63 : f32 to vector<16xf32>
      %select_n3A_65 = arith.select %ne3A, %broadcast_in_dim3A_64, %add3A_62 : vector<16xi1>, vector<16xf32>
      %scan3A_66 = arith.constant 1 : i32
      %scan3A_67 = arith.addi %scan3A_38, %scan3A_66 : i32
      %mul3A_68 = arith.constant 16 : i32
      %mul3A_69 = arith.muli %scan3A_67, %mul3A_68 : i32
      %get3A_70 = arith.index_cast %mul3A_69 : i32 to index
      %get3A_71 = tpu.vector_load %arg6[%get3A_70] {strides = array<i32>} : memref<32768xf32, #tpu.memory_space<vmem>>, vector<16xf32>,
      %get3A_72 = arith.index_cast %mul3A_69 : i32 to index
      %get3A_73 = tpu.vector_load %arg7[%get3A_72] {strides = array<i32>} : memref<32768xf32, #tpu.memory_space<vmem>>, vector<16xf32>,
      %add3A_74 = arith.constant 16 : i32
      %add3A_75 = arith.addi %mul3A_69, %add3A_74 : i32
      %get3A_76 = arith.index_cast %add3A_75 : i32 to index
      %get3A_77 = tpu.vector_load %arg8[%get3A_76] {strides = array<i32>} : memref<32784xi32, #tpu.memory_space<vmem>>, vector<16xi32>,
      %ne3A_78 = arith.cmpi ne, %get3A_52, %get3A_77 : vector<16xi32>
      %mul3A_79 = arith.mulf %get3A_71, %get3A_71 : vector<16xf32>
      %add3A_80 = arith.addf %select_n3A, %mul3A_79 : vector<16xf32>
      tpu.vector_store_idx %arg9[%get3A_52], %add3A_80 masked %ne3A_78 {add = true} : memref<8192xf32, #tpu.memory_space<vmem>>[vector<16xi32>], vector<16xf32>, vector<16xi1>
      %jit3A_81 = arith.constant 0.000000e+00 : f32
      %broadcast_in_dim3A_82 = vector.broadcast %jit3A_81 : f32 to vector<16xf32>
      %select_n3A_83 = arith.select %ne3A_78, %broadcast_in_dim3A_82, %add3A_80 : vector<16xi1>, vector<16xf32>
      %mul3A_84 = arith.mulf %get3A_73, %get3A_73 : vector<16xf32>
      %add3A_85 = arith.addf %select_n3A_60, %mul3A_84 : vector<16xf32>
      tpu.vector_store_idx %arg10[%get3A_52], %add3A_85 masked %ne3A_78 {add = true} : memref<8192xf32, #tpu.memory_space<vmem>>[vector<16xi32>], vector<16xf32>, vector<16xi1>
      %jit3A_86 = arith.constant 0.000000e+00 : f32
      %broadcast_in_dim3A_87 = vector.broadcast %jit3A_86 : f32 to vector<16xf32>
      %select_n3A_88 = arith.select %ne3A_78, %broadcast_in_dim3A_87, %add3A_85 : vector<16xi1>, vector<16xf32>
      %mul3A_89 = arith.mulf %get3A_71, %get3A_73 : vector<16xf32>
      %add3A_90 = arith.addf %select_n3A_65, %mul3A_89 : vector<16xf32>
      tpu.vector_store_idx %arg11[%get3A_52], %add3A_90 masked %ne3A_78 {add = true} : memref<8192xf32, #tpu.memory_space<vmem>>[vector<16xi32>], vector<16xf32>, vector<16xi1>
      %jit3A_91 = arith.constant 0.000000e+00 : f32
      %broadcast_in_dim3A_92 = vector.broadcast %jit3A_91 : f32 to vector<16xf32>
      %select_n3A_93 = arith.select %ne3A_78, %broadcast_in_dim3A_92, %add3A_90 : vector<16xi1>, vector<16xf32>
      %scan3A_94 = arith.constant 2 : i32
      %scan3A_95 = arith.addi %scan3A_38, %scan3A_94 : i32
      %mul3A_96 = arith.constant 16 : i32
      %mul3A_97 = arith.muli %scan3A_95, %mul3A_96 : i32
      %get3A_98 = arith.index_cast %mul3A_97 : i32 to index
      %get3A_99 = tpu.vector_load %arg6[%get3A_98] {strides = array<i32>} : memref<32768xf32, #tpu.memory_space<vmem>>, vector<16xf32>,
      %get3A_100 = arith.index_cast %mul3A_97 : i32 to index
      %get3A_101 = tpu.vector_load %arg7[%get3A_100] {strides = array<i32>} : memref<32768xf32, #tpu.memory_space<vmem>>, vector<16xf32>,
      %add3A_102 = arith.constant 16 : i32
      %add3A_103 = arith.addi %mul3A_97, %add3A_102 : i32
      %get3A_104 = arith.index_cast %add3A_103 : i32 to index
      %get3A_105 = tpu.vector_load %arg8[%get3A_104] {strides = array<i32>} : memref<32784xi32, #tpu.memory_space<vmem>>, vector<16xi32>,
      %ne3A_106 = arith.cmpi ne, %get3A_77, %get3A_105 : vector<16xi32>
      %mul3A_107 = arith.mulf %get3A_99, %get3A_99 : vector<16xf32>
      %add3A_108 = arith.addf %select_n3A_83, %mul3A_107 : vector<16xf32>
      tpu.vector_store_idx %arg9[%get3A_77], %add3A_108 masked %ne3A_106 {add = true} : memref<8192xf32, #tpu.memory_space<vmem>>[vector<16xi32>], vector<16xf32>, vector<16xi1>
      %jit3A_109 = arith.constant 0.000000e+00 : f32
      %broadcast_in_dim3A_110 = vector.broadcast %jit3A_109 : f32 to vector<16xf32>
      %select_n3A_111 = arith.select %ne3A_106, %broadcast_in_dim3A_110, %add3A_108 : vector<16xi1>, vector<16xf32>
      %mul3A_112 = arith.mulf %get3A_101, %get3A_101 : vector<16xf32>
      %add3A_113 = arith.addf %select_n3A_88, %mul3A_112 : vector<16xf32>
      tpu.vector_store_idx %arg10[%get3A_77], %add3A_113 masked %ne3A_106 {add = true} : memref<8192xf32, #tpu.memory_space<vmem>>[vector<16xi32>], vector<16xf32>, vector<16xi1>
      %jit3A_114 = arith.constant 0.000000e+00 : f32
      %broadcast_in_dim3A_115 = vector.broadcast %jit3A_114 : f32 to vector<16xf32>
      %select_n3A_116 = arith.select %ne3A_106, %broadcast_in_dim3A_115, %add3A_113 : vector<16xi1>, vector<16xf32>
      %mul3A_117 = arith.mulf %get3A_99, %get3A_101 : vector<16xf32>
      %add3A_118 = arith.addf %select_n3A_93, %mul3A_117 : vector<16xf32>
      tpu.vector_store_idx %arg11[%get3A_77], %add3A_118 masked %ne3A_106 {add = true} : memref<8192xf32, #tpu.memory_space<vmem>>[vector<16xi32>], vector<16xf32>, vector<16xi1>
      %jit3A_119 = arith.constant 0.000000e+00 : f32
      %broadcast_in_dim3A_120 = vector.broadcast %jit3A_119 : f32 to vector<16xf32>
      %select_n3A_121 = arith.select %ne3A_106, %broadcast_in_dim3A_120, %add3A_118 : vector<16xi1>, vector<16xf32>
      %scan3A_122 = arith.constant 3 : i32
      %scan3A_123 = arith.addi %scan3A_38, %scan3A_122 : i32
      %mul3A_124 = arith.constant 16 : i32
      %mul3A_125 = arith.muli %scan3A_123, %mul3A_124 : i32
      %get3A_126 = arith.index_cast %mul3A_125 : i32 to index
      %get3A_127 = tpu.vector_load %arg6[%get3A_126] {strides = array<i32>} : memref<32768xf32, #tpu.memory_space<vmem>>, vector<16xf32>,
      %get3A_128 = arith.index_cast %mul3A_125 : i32 to index
      %get3A_129 = tpu.vector_load %arg7[%get3A_128] {strides = array<i32>} : memref<32768xf32, #tpu.memory_space<vmem>>, vector<16xf32>,
      %add3A_130 = arith.constant 16 : i32
      %add3A_131 = arith.addi %mul3A_125, %add3A_130 : i32
      %get3A_132 = arith.index_cast %add3A_131 : i32 to index
      %get3A_133 = tpu.vector_load %arg8[%get3A_132] {strides = array<i32>} : memref<32784xi32, #tpu.memory_space<vmem>>, vector<16xi32>,
      %ne3A_134 = arith.cmpi ne, %get3A_105, %get3A_133 : vector<16xi32>
      %mul3A_135 = arith.mulf %get3A_127, %get3A_127 : vector<16xf32>
      %add3A_136 = arith.addf %select_n3A_111, %mul3A_135 : vector<16xf32>
      tpu.vector_store_idx %arg9[%get3A_105], %add3A_136 masked %ne3A_134 {add = true} : memref<8192xf32, #tpu.memory_space<vmem>>[vector<16xi32>], vector<16xf32>, vector<16xi1>
      %jit3A_137 = arith.constant 0.000000e+00 : f32
      %broadcast_in_dim3A_138 = vector.broadcast %jit3A_137 : f32 to vector<16xf32>
      %select_n3A_139 = arith.select %ne3A_134, %broadcast_in_dim3A_138, %add3A_136 : vector<16xi1>, vector<16xf32>
      %mul3A_140 = arith.mulf %get3A_129, %get3A_129 : vector<16xf32>
      %add3A_141 = arith.addf %select_n3A_116, %mul3A_140 : vector<16xf32>
      tpu.vector_store_idx %arg10[%get3A_105], %add3A_141 masked %ne3A_134 {add = true} : memref<8192xf32, #tpu.memory_space<vmem>>[vector<16xi32>], vector<16xf32>, vector<16xi1>
      %jit3A_142 = arith.constant 0.000000e+00 : f32
      %broadcast_in_dim3A_143 = vector.broadcast %jit3A_142 : f32 to vector<16xf32>
      %select_n3A_144 = arith.select %ne3A_134, %broadcast_in_dim3A_143, %add3A_141 : vector<16xi1>, vector<16xf32>
      %mul3A_145 = arith.mulf %get3A_127, %get3A_129 : vector<16xf32>
      %add3A_146 = arith.addf %select_n3A_121, %mul3A_145 : vector<16xf32>
      tpu.vector_store_idx %arg11[%get3A_105], %add3A_146 masked %ne3A_134 {add = true} : memref<8192xf32, #tpu.memory_space<vmem>>[vector<16xi32>], vector<16xf32>, vector<16xi1>
      %jit3A_147 = arith.constant 0.000000e+00 : f32
      %broadcast_in_dim3A_148 = vector.broadcast %jit3A_147 : f32 to vector<16xf32>
      %select_n3A_149 = arith.select %ne3A_134, %broadcast_in_dim3A_148, %add3A_146 : vector<16xi1>, vector<16xf32>
      scf.yield %get3A_133, %select_n3A_139, %select_n3A_144, %select_n3A_149 : vector<16xi32>, vector<16xf32>, vector<16xf32>, vector<16xf32>
    }
    %scan3A_35 = arith.constant 2048 : i32
    tpu.vector_store_idx %arg9[%scan3A_34#0], %scan3A_34#1 {add = true} : memref<8192xf32, #tpu.memory_space<vmem>>[vector<16xi32>], vector<16xf32>,
    tpu.vector_store_idx %arg10[%scan3A_34#0], %scan3A_34#2 {add = true} : memref<8192xf32, #tpu.memory_space<vmem>>[vector<16xi32>], vector<16xf32>,
    tpu.vector_store_idx %arg11[%scan3A_34#0], %scan3A_34#3 {add = true} : memref<8192xf32, #tpu.memory_space<vmem>>[vector<16xi32>], vector<16xf32>,
    %run_scoped3A = arith.constant 0 : i32
    "tpu.region"() ({
      %run_scoped3A_38 = tpu.sem_alloc : memref<!tpu.dma_semaphore, #tpu.memory_space<semaphore_mem>>
      %dma_start3A_39 = arith.constant 0 : i32
      %dma_start3A_40 = tpu.memref_slice %arg5[%run_scoped3A, %add3A, %dma_start3A_39] : memref<3x32x8192xf32, #tpu.memory_space<hbm>> -> memref<1x1x8192xf32, #tpu.memory_space<hbm>>
      %dma_start3A_41 = tpu.memref_squeeze %dma_start3A_40 : memref<1x1x8192xf32, #tpu.memory_space<hbm>> -> memref<8192xf32, #tpu.memory_space<hbm>>
      %dma_start3A_42 = arith.constant 0 : i32
      %dma_start3A_43 = tpu.memref_slice %arg5[%run_scoped3A, %add3A, %dma_start3A_42] : memref<3x32x8192xf32, #tpu.memory_space<hbm>> -> memref<1x1x8192xf32, #tpu.memory_space<hbm>>
      %dma_start3A_44 = tpu.memref_squeeze %dma_start3A_43 : memref<1x1x8192xf32, #tpu.memory_space<hbm>> -> memref<8192xf32, #tpu.memory_space<hbm>>
      tpu.enqueue_dma source(%arg9 : memref<8192xf32, #tpu.memory_space<vmem>>) target(%dma_start3A_44 : memref<8192xf32, #tpu.memory_space<hbm>>) target_semaphore(%run_scoped3A_38 : memref<!tpu.dma_semaphore, #tpu.memory_space<semaphore_mem>>)
      %dma_wait3A_45 = arith.constant 0 : i32
      %dma_wait3A_46 = tpu.memref_slice %arg5[%run_scoped3A, %add3A, %dma_wait3A_45] : memref<3x32x8192xf32, #tpu.memory_space<hbm>> -> memref<1x1x8192xf32, #tpu.memory_space<hbm>>
      %dma_wait3A_47 = tpu.memref_squeeze %dma_wait3A_46 : memref<1x1x8192xf32, #tpu.memory_space<hbm>> -> memref<8192xf32, #tpu.memory_space<hbm>>
      %dma_wait3A_48 = arith.constant 0 : i32
      %dma_wait3A_49 = tpu.memref_slice %arg5[%run_scoped3A, %add3A, %dma_wait3A_48] : memref<3x32x8192xf32, #tpu.memory_space<hbm>> -> memref<1x1x8192xf32, #tpu.memory_space<hbm>>
      %dma_wait3A_50 = tpu.memref_squeeze %dma_wait3A_49 : memref<1x1x8192xf32, #tpu.memory_space<hbm>> -> memref<8192xf32, #tpu.memory_space<hbm>>
      tpu.wait_dma2 semaphore(%run_scoped3A_38 : memref<!tpu.dma_semaphore, #tpu.memory_space<semaphore_mem>>) src(%arg9 : memref<8192xf32, #tpu.memory_space<vmem>>) dst(%dma_wait3A_50 : memref<8192xf32, #tpu.memory_space<hbm>>)
      tpu.yield
    }) : () -> ()
    %run_scoped3A_36 = arith.constant 1 : i32
    "tpu.region"() ({
      %run_scoped3A_38 = tpu.sem_alloc : memref<!tpu.dma_semaphore, #tpu.memory_space<semaphore_mem>>
      %dma_start3A_39 = arith.constant 0 : i32
      %dma_start3A_40 = tpu.memref_slice %arg5[%run_scoped3A_36, %add3A, %dma_start3A_39] : memref<3x32x8192xf32, #tpu.memory_space<hbm>> -> memref<1x1x8192xf32, #tpu.memory_space<hbm>>
      %dma_start3A_41 = tpu.memref_squeeze %dma_start3A_40 : memref<1x1x8192xf32, #tpu.memory_space<hbm>> -> memref<8192xf32, #tpu.memory_space<hbm>>
      %dma_start3A_42 = arith.constant 0 : i32
      %dma_start3A_43 = tpu.memref_slice %arg5[%run_scoped3A_36, %add3A, %dma_start3A_42] : memref<3x32x8192xf32, #tpu.memory_space<hbm>> -> memref<1x1x8192xf32, #tpu.memory_space<hbm>>
      %dma_start3A_44 = tpu.memref_squeeze %dma_start3A_43 : memref<1x1x8192xf32, #tpu.memory_space<hbm>> -> memref<8192xf32, #tpu.memory_space<hbm>>
      tpu.enqueue_dma source(%arg10 : memref<8192xf32, #tpu.memory_space<vmem>>) target(%dma_start3A_44 : memref<8192xf32, #tpu.memory_space<hbm>>) target_semaphore(%run_scoped3A_38 : memref<!tpu.dma_semaphore, #tpu.memory_space<semaphore_mem>>)
      %dma_wait3A_45 = arith.constant 0 : i32
      %dma_wait3A_46 = tpu.memref_slice %arg5[%run_scoped3A_36, %add3A, %dma_wait3A_45] : memref<3x32x8192xf32, #tpu.memory_space<hbm>> -> memref<1x1x8192xf32, #tpu.memory_space<hbm>>
      %dma_wait3A_47 = tpu.memref_squeeze %dma_wait3A_46 : memref<1x1x8192xf32, #tpu.memory_space<hbm>> -> memref<8192xf32, #tpu.memory_space<hbm>>
      %dma_wait3A_48 = arith.constant 0 : i32
      %dma_wait3A_49 = tpu.memref_slice %arg5[%run_scoped3A_36, %add3A, %dma_wait3A_48] : memref<3x32x8192xf32, #tpu.memory_space<hbm>> -> memref<1x1x8192xf32, #tpu.memory_space<hbm>>
      %dma_wait3A_50 = tpu.memref_squeeze %dma_wait3A_49 : memref<1x1x8192xf32, #tpu.memory_space<hbm>> -> memref<8192xf32, #tpu.memory_space<hbm>>
      tpu.wait_dma2 semaphore(%run_scoped3A_38 : memref<!tpu.dma_semaphore, #tpu.memory_space<semaphore_mem>>) src(%arg10 : memref<8192xf32, #tpu.memory_space<vmem>>) dst(%dma_wait3A_50 : memref<8192xf32, #tpu.memory_space<hbm>>)
      tpu.yield
    }) : () -> ()
    %run_scoped3A_37 = arith.constant 2 : i32
    "tpu.region"() ({
      %run_scoped3A_38 = tpu.sem_alloc : memref<!tpu.dma_semaphore, #tpu.memory_space<semaphore_mem>>
      %dma_start3A_39 = arith.constant 0 : i32
      %dma_start3A_40 = tpu.memref_slice %arg5[%run_scoped3A_37, %add3A, %dma_start3A_39] : memref<3x32x8192xf32, #tpu.memory_space<hbm>> -> memref<1x1x8192xf32, #tpu.memory_space<hbm>>
      %dma_start3A_41 = tpu.memref_squeeze %dma_start3A_40 : memref<1x1x8192xf32, #tpu.memory_space<hbm>> -> memref<8192xf32, #tpu.memory_space<hbm>>
      %dma_start3A_42 = arith.constant 0 : i32
      %dma_start3A_43 = tpu.memref_slice %arg5[%run_scoped3A_37, %add3A, %dma_start3A_42] : memref<3x32x8192xf32, #tpu.memory_space<hbm>> -> memref<1x1x8192xf32, #tpu.memory_space<hbm>>
      %dma_start3A_44 = tpu.memref_squeeze %dma_start3A_43 : memref<1x1x8192xf32, #tpu.memory_space<hbm>> -> memref<8192xf32, #tpu.memory_space<hbm>>
      tpu.enqueue_dma source(%arg11 : memref<8192xf32, #tpu.memory_space<vmem>>) target(%dma_start3A_44 : memref<8192xf32, #tpu.memory_space<hbm>>) target_semaphore(%run_scoped3A_38 : memref<!tpu.dma_semaphore, #tpu.memory_space<semaphore_mem>>)
      %dma_wait3A_45 = arith.constant 0 : i32
      %dma_wait3A_46 = tpu.memref_slice %arg5[%run_scoped3A_37, %add3A, %dma_wait3A_45] : memref<3x32x8192xf32, #tpu.memory_space<hbm>> -> memref<1x1x8192xf32, #tpu.memory_space<hbm>>
      %dma_wait3A_47 = tpu.memref_squeeze %dma_wait3A_46 : memref<1x1x8192xf32, #tpu.memory_space<hbm>> -> memref<8192xf32, #tpu.memory_space<hbm>>
      %dma_wait3A_48 = arith.constant 0 : i32
      %dma_wait3A_49 = tpu.memref_slice %arg5[%run_scoped3A_37, %add3A, %dma_wait3A_48] : memref<3x32x8192xf32, #tpu.memory_space<hbm>> -> memref<1x1x8192xf32, #tpu.memory_space<hbm>>
      %dma_wait3A_50 = tpu.memref_squeeze %dma_wait3A_49 : memref<1x1x8192xf32, #tpu.memory_space<hbm>> -> memref<8192xf32, #tpu.memory_space<hbm>>
      tpu.wait_dma2 semaphore(%run_scoped3A_38 : memref<!tpu.dma_semaphore, #tpu.memory_space<semaphore_mem>>) src(%arg11 : memref<8192xf32, #tpu.memory_space<vmem>>) dst(%dma_wait3A_50 : memref<8192xf32, #tpu.memory_space<hbm>>)
      tpu.yield
    }) : () -> ()
    return
  }
}

module attributes {stable_mosaic.version = 14 : i64} {
  func.func @tc_kernel(%arg0: memref<3x32x8192xf32, #tpu.memory_space<vmem>>, %arg1: memref<1x1xf32, #tpu.memory_space<smem>>) attributes {dimension_semantics = [], scalar_prefetch = 0 : i64, scratch_operands = 0 : i64, tpu.core_type = #tpu.core_type<tc>} {
    %get3A = arith.constant 0 : index
    %get3A_0 = arith.constant 0 : index
    %get3A_1 = arith.constant 0 : index
    %get3A_2 = vector.load %arg0[%get3A, %get3A_0, %get3A_1] : memref<3x32x8192xf32, #tpu.memory_space<vmem>>, vector<1x32x8192xf32>
    %get3A_3 = vector.shape_cast %get3A_2 : vector<1x32x8192xf32> to vector<32x8192xf32>
    %reduce_sum3A = arith.constant dense<0.000000e+00> : vector<8192xf32>
    %reduce_sum3A_4 = vector.multi_reduction <add>, %get3A_3, %reduce_sum3A [0] : vector<32x8192xf32> to vector<8192xf32>
    %get3A_5 = arith.constant 1 : index
    %get3A_6 = arith.constant 0 : index
    %get3A_7 = arith.constant 0 : index
    %get3A_8 = vector.load %arg0[%get3A_5, %get3A_6, %get3A_7] : memref<3x32x8192xf32, #tpu.memory_space<vmem>>, vector<1x32x8192xf32>
    %get3A_9 = vector.shape_cast %get3A_8 : vector<1x32x8192xf32> to vector<32x8192xf32>
    %reduce_sum3A_10 = arith.constant dense<0.000000e+00> : vector<8192xf32>
    %reduce_sum3A_11 = vector.multi_reduction <add>, %get3A_9, %reduce_sum3A_10 [0] : vector<32x8192xf32> to vector<8192xf32>
    %get3A_12 = arith.constant 2 : index
    %get3A_13 = arith.constant 0 : index
    %get3A_14 = arith.constant 0 : index
    %get3A_15 = vector.load %arg0[%get3A_12, %get3A_13, %get3A_14] : memref<3x32x8192xf32, #tpu.memory_space<vmem>>, vector<1x32x8192xf32>
    %get3A_16 = vector.shape_cast %get3A_15 : vector<1x32x8192xf32> to vector<32x8192xf32>
    %reduce_sum3A_17 = arith.constant dense<0.000000e+00> : vector<8192xf32>
    %reduce_sum3A_18 = vector.multi_reduction <add>, %get3A_16, %reduce_sum3A_17 [0] : vector<32x8192xf32> to vector<8192xf32>
    %sqrt3A = math.sqrt %reduce_sum3A_4 : vector<8192xf32>
    %add3A = arith.constant 9.99999993E-9 : f32
    %add3A_19 = vector.broadcast %add3A : f32 to vector<8192xf32>
    %add3A_20 = arith.addf %sqrt3A, %add3A_19 : vector<8192xf32>
    %sqrt3A_21 = math.sqrt %reduce_sum3A_11 : vector<8192xf32>
    %add3A_22 = arith.constant 9.99999993E-9 : f32
    %add3A_23 = vector.broadcast %add3A_22 : f32 to vector<8192xf32>
    %add3A_24 = arith.addf %sqrt3A_21, %add3A_23 : vector<8192xf32>
    %mul3A = arith.mulf %add3A_20, %add3A_24 : vector<8192xf32>
    %div3A = arith.divf %reduce_sum3A_18, %mul3A : vector<8192xf32>
    %jit3A = arith.constant -1.000000e+00 : f32
    %jit3A_25 = arith.constant 1.000000e+00 : f32
    %max3A = vector.broadcast %jit3A : f32 to vector<8192xf32>
    %max3A_26 = arith.maximumf %max3A, %div3A : vector<8192xf32>
    %min3A = vector.broadcast %jit3A_25 : f32 to vector<8192xf32>
    %min3A_27 = arith.minimumf %min3A, %max3A_26 : vector<8192xf32>
    %reduce_sum3A_28 = vector.shape_cast %min3A_27 : vector<8192xf32> to vector<1x8192xf32>
    %reduce_sum3A_29 = arith.constant dense<0.000000e+00> : vector<1xf32>
    %reduce_sum3A_30 = vector.multi_reduction <add>, %reduce_sum3A_28, %reduce_sum3A_29 [1] : vector<1x8192xf32> to vector<1xf32>
    %reduce_sum3A_31 = vector.shape_cast %reduce_sum3A_30 : vector<1xf32> to vector<1x1xf32>
    %reduce_sum3A_32 = vector.extract %reduce_sum3A_31[0, 0] : f32 from vector<1x1xf32>
    %div3A_33 = arith.constant 8.192000e+03 : f32
    %div3A_34 = arith.divf %reduce_sum3A_32, %div3A_33 : f32
    %sub3A = arith.constant 1.000000e+00 : f32
    %sub3A_35 = arith.subf %sub3A, %div3A_34 : f32
    %swap3A = arith.constant 0 : index
    %swap3A_36 = arith.constant 0 : index
    %swap3A_37 = memref.load %arg1[%swap3A, %swap3A_36] : memref<1x1xf32, #tpu.memory_space<smem>>
    memref.store %sub3A_35, %arg1[%swap3A, %swap3A_36] : memref<1x1xf32, #tpu.memory_space<smem>>
    return
  }
}

</mosaic_0001>

<sc_bundles>
// kernel: kernel.4.cloned.1.call-start
scs
__scs_entry_jumppad:
0x0: {  	(pc) =	sbr.rel $0x88, $3  }
0x1: {  	(tag) =	ssettag $0x0;
	lr =	simm.s32 $0x1  }
0x2: {  	[smem:$0x3F9E] =	sst lr;
	_ =	strace $0xD0000000  }
0x3: {  	_ = 	snop  }
0x4: {  	_ = 	snop  }
0x5: {  	_ = 	snop  }
0x6: {  	_ = 	snop  }
0x7: {  	_ = 	snop  }
__scs_overlays_trampoline_lowered:
0x8: {  	[smem:$0x3FAD] =	sst s0  }
0x9: {  	[smem:$0x3FAE] =	sst s1  }
0xa: {  	[smem:$0x3FAF] =	sst s2  }
0xb: {  	[smem:$0x3FB0] =	sst s3  }
0xc: {  	[smem:$0x3FB1] =	sst s4  }
0xd: {  	[smem:$0x3FB2] =	sst s5  }
0xe: {  	[smem:$0x3FB3] =	sst s6  }
0xf: {  	[smem:$0x3FB4] =	sst s7  }
0x10: {  	[smem:$0x3FB5] =	sst s8  }
0x11: {  	[smem:$0x3FB6] =	sst s9;
	s0 =	simm.s32 @!p0 $0x0  }
0x12: {  	s1 =	sld [smem:$0x3F9C];
	s0 =	simm.s32 @p0 $0x1  }
0x13: {  	[smem:$0x3FB7] =	sst s0;
	s0 =	simm.s32 @!p1 $0x0  }
0x14: {  	s2 =	sld [smem:$0x3F9B];
	s0 =	simm.s32 @p1 $0x1  }
0x15: {  	[smem:$0x3FB8] =	sst s0;
	s0 =	simm.s32 @!p2 $0x0  }
0x16: {  	s3 =	sld [smem:$0x3FDB];
	s0 =	simm.s32 @p2 $0x1  }
0x17: {  	s4 =	simm.s32 $0x1BF5;
	[smem:$0x3FBA] =	sst s0  }
0x18: {  	s0 =	sld [smem:$0x3F9D];
	_ =	swait.ge [sflag:s4], $0x0  }
0x19: {  	s7 =	sld [smem:$0x3F9E]  }
0x1a: {  	s8 =	sadd.s32 $0xFFFFE003, lr  }
0x1b: {  	s9 =	sadd.s32 $0xFFFFFEF7, lr;
	s5 =	simm.s32 $0xFFFFFFFF;
	p2 =	slt.u32 s8, $0xFFFFF086  }
0x1c: {  	p1 =	slt.u32 s9, $0xF7A;
	s5 =	simm.s32 @!p2 $0x0  }
0x1d: {  	s5 =	simm.s32 @p1 $0x1;
	p0 =	seq.s32 s7, s2  }
0x1e: {  	s7 =	smul.u32 @!p0 $0xF7A, s2;
	p2 =	seq.s32 @!p0 s5, $0x0  }
0x1f: {  	s9 =	smul.u32 $0xF7A, s1;
	s8 =	simm.s32 @!p0 $0x1BF5;
	p2 =	por !p2, p0  }
0x20: {  	[sflag:s8] =	ssyncset.s32 @!p0 $0xFFFFF086;
	s6 =	sadd.s32 @!p0 s3, s7;
	s7 =	simm.s32 @!p0 $0x108  }
0x21: {  	s3 =	sadd.s32 s3, s9;
	s6 =	sadd.s32 @!p0 $0x88, s6;
	s7 =	simm.s32 @p2 $0x1082  }
0x22: {  	[simem:s7], [sflag:s8] =	dma.local @!p0 [hbm:s6], $0xF7A  }
0x23: {  	s9 =	sor.u32 $0xD0000000, s2;
	s6 =	simm.s32 $0x108;
	_ =	swait.ge @!p0 [sflag:s8], $0x0  }
0x24: {  	s3 =	sadd.s32 $0x88, s3;
	s6 =	simm.s32 @!p1 $0x1082;
	[sflag:s4] =	ssyncset.s32 $0xFFFFF086  }
0x25: {  	[simem:s6], [sflag:s4] =	dma.local [hbm:s3], $0xF7A  }
0x26: {  	[smem:$0x3F9E] =	sst s1;
	(tag) =	ssettag s2;
	_ =	strace s9  }
0x27: {  	s1 =	sld [smem:$0x3FAE]  }
0x28: {  	s2 =	sld [smem:$0x3FAF]  }
0x29: {  	s4 =	sld [smem:$0x3FB1]  }
0x2a: {  	p0 =	seq.s32 s5, $0x0;
	s5 =	sld [smem:$0x3FB2]  }
0x2b: {  	s6 =	sld [smem:$0x3FB3]  }
0x2c: {  	s7 =	sld [smem:$0x3FB4]  }
0x2d: {  	s3 =	simm.s32 $0x108;
	s8 =	sld [smem:$0x3FB5]  }
0x2e: {  	s3 =	simm.s32 @!p0 $0x1082;
	s9 =	sld [smem:$0x3FB6]  }
0x2f: {  	lr =	sadd.s32 s0, s3;
	s0 =	sld [smem:$0x3FAD]  }
0x30: {  	s3 =	sld [smem:$0x3FB0]  }
0x31: {  	[smem:$0x3FB9] =	sst s10  }
0x32: {  	s10 =	sld [smem:$0x3FB7];
	_ =	sdelay $0x3  }
0x33: {  	p0 =	seq.s32 s10, $0x1;
	s10 =	sld [smem:$0x3FB9];
	_ =	sdelay $0x3  }
0x34: {  	[smem:$0x3FB9] =	sst s10  }
0x35: {  	s10 =	sld [smem:$0x3FB8];
	_ =	sdelay $0x3  }
0x36: {  	p1 =	seq.s32 s10, $0x1;
	s10 =	sld [smem:$0x3FB9];
	_ =	sdelay $0x3  }
0x37: {  	[smem:$0x3FB9] =	sst s10  }
0x38: {  	s10 =	sld [smem:$0x3FBA]  }
0x39: {  	_ = 	snop;
	(pc) =	sbr.ind lr, $3  }
0x3a: {  	_ = 	snop  }
0x3b: {  	_ = 	snop  }
0x3c: {  	p2 =	seq.s32 s10, $0x1;
	s10 =	sld [smem:$0x3FB9]  }
0x3d: {  	_ =	shalt  }
0x3e: {  	_ =	shalt  }
0x3f: {  	_ =	shalt  }
0x40: {  	_ =	shalt  }
0x41: {  	_ =	shalt  }
0x42: {  	_ =	shalt  }
0x43: {  	_ =	shalt  }
0x44: {  	_ =	shalt  }
0x45: {  	_ =	shalt  }
0x46: {  	_ =	shalt  }
0x47: {  	_ =	shalt  }
0x48: {  	_ =	shalt  }
0x49: {  	_ =	shalt  }
0x4a: {  	_ =	shalt  }
0x4b: {  	_ =	shalt  }
0x4c: {  	_ =	shalt  }
0x4d: {  	_ =	shalt  }
0x4e: {  	_ =	shalt  }
0x4f: {  	_ =	shalt  }
0x50: {  	_ =	shalt  }
0x51: {  	_ =	shalt  }
0x52: {  	_ =	shalt  }
0x53: {  	_ =	shalt  }
0x54: {  	_ =	shalt  }
0x55: {  	_ =	shalt  }
0x56: {  	_ =	shalt  }
0x57: {  	_ =	shalt  }
0x58: {  	_ =	shalt  }
0x59: {  	_ =	shalt  }
0x5a: {  	_ =	shalt  }
0x5b: {  	_ =	shalt  }
0x5c: {  	_ =	shalt  }
0x5d: {  	_ =	shalt  }
0x5e: {  	_ =	shalt  }
0x5f: {  	_ =	shalt  }
0x60: {  	_ =	shalt  }
0x61: {  	_ =	shalt  }
0x62: {  	_ =	shalt  }
0x63: {  	_ =	shalt  }
0x64: {  	_ =	shalt  }
0x65: {  	_ =	shalt  }
0x66: {  	_ =	shalt  }
0x67: {  	_ =	shalt  }
0x68: {  	_ =	shalt  }
0x69: {  	_ =	shalt  }
0x6a: {  	_ =	shalt  }
0x6b: {  	_ =	shalt  }
0x6c: {  	_ =	shalt  }
0x6d: {  	_ =	shalt  }
0x6e: {  	_ =	shalt  }
0x6f: {  	_ =	shalt  }
0x70: {  	_ =	shalt  }
0x71: {  	_ =	shalt  }
0x72: {  	_ =	shalt  }
0x73: {  	_ =	shalt  }
0x74: {  	_ =	shalt  }
0x75: {  	_ =	shalt  }
0x76: {  	_ =	shalt  }
0x77: {  	_ =	shalt  }
0x78: {  	_ =	shalt  }
0x79: {  	_ =	shalt  }
0x7a: {  	_ =	shalt  }
0x7b: {  	_ =	shalt  }
0x7c: {  	_ =	shalt  }
0x7d: {  	_ =	shalt  }
0x7e: {  	_ =	shalt  }
0x7f: {  	_ =	shalt  }
0x80: {  	_ =	shalt  }
0x81: {  	_ =	shalt  }
0x82: {  	_ =	shalt  }
0x83: {  	_ =	shalt  }
0x84: {  	_ =	shalt  }
0x85: {  	_ =	shalt  }
0x86: {  	_ =	shalt  }
0x87: {  	_ =	shalt  }
.Lfunc_end0:
.L_simem_size_0:
called_computation_lowered:
.L_overlay_start_0:
0x88: {  	s2 =	sld [smem:$0x3FD9]  }
0x89: {  	s3 =	sld [smem:$0x3FFE];
	_ =	sdelay $0x1  }
0x8a: {  	s1 =	srdreg.scid  }
0x8b: {  	s0 =	sand.u32 $0x1, s1  }
0x8c: {  	s17 =	sshll.u32 s0, $0xA;
	s2 =	sadd.s32 s3, s2  }
0x8d: {  	s2 =	sadd.s32 s2, s17  }
0x8e: {  	[smem:$0x3FC5] =	sst s2  }
0x8f: {  	_ = 	snop  }
0x90: {  	s2 =	sld [smem:$0x3FC9]  }
0x91: {  	s18 =	sld [smem:$0x3FC8]  }
0x92: {  	s4 =	sld [smem:$0x3FC7];
	(tm) =	ssettm $0x1  }
0x93: {  	s5 =	sld [smem:$0x3FFB];
	_ =	sdelay $0x3  }
0x94: {  	_ =	strace s5  }
0x95: {  	s5 =	sld [smem:$0x3FFC];
	_ =	sdelay $0x3  }
0x96: {  	_ =	strace s5  }
0x97: {  	s5 =	sld [smem:$0x3FFD];
	_ =	sdelay $0x3  }
0x98: {  	_ =	strace s5  }
0x99: {  	_ =	strace $0x8FFFFFFF  }
0x9a: {  	s19 =	sld [smem:$0x3FDB];
	_ =	sdelay $0x1  }
0x9b: {  	s6 =	simm.s32 $_scs_section_size  }
0x9c: {  	s7 =	simm.s32 $_size__tile_overlayer_lowered;
	s8 =	simm.s32 $_tile_overlayer_lowered  }
0x9d: {  	s22 =	simm.s32 $0x1BFF;
	s21 =	sshll.u32 s8, $0x1;
	s5 =	sadd.s32 s6, s19  }
0x9e: {  	s9 =	simm.s32 $0x0;
	s20 =	sshll.u32 s7, $0x1;
	s7 =	sadd.s32 s21, s5  }
0x9f: {  	[timem:s9], [sflag:s22] =	dma.local [hbm:s7], s20  }
0xa0: {  	_ =	swait.ge [sflag:s22], s20  }
0xa1: {  	s6 =	ssub.s32 $0x0, s20;
	[sflag:s22] =	ssyncset.done $0x0  }
0xa2: {  	[sflag:s22] =	ssyncadd.s32 s6;
	_ =	sdelay $0x1  }
0xa3: {  	s23 =	simm.s32 $0x1B8B  }
0xa4: {  	_ =	swait.ge [sflag:s23], $0x1  }
0xa5: {  	[sflag:s23] =	ssyncset.done $0x0  }
0xa6: {  	s25 =	simm.s32 $0x1B8E;
	s24 =	sld [smem:$0x3FFE];
	[sflag:s23] =	ssyncadd.s32 $0xFFFFFFFF  }
0xa7: {  	s26 =	simm.s32 $execute0_lowered;
	[smem:$0x3FD2] =	sst s25  }
0xa8: {  	s7 =	sshll.u32 s26, $0x1;
	_ =	strace $0x80000046;
	[dreg:$0x1] =	wrdreg $0xFFFFFFFF  }
0xa9: {  	s28 =	simm.s32 $_size_execute0_lowered;
	s5 =	sadd.s32 s5, s7;
	[dreg:$0x0] =	wrdreg $0x0  }
0xaa: {  	s7 =	sshll.u32 s28, $0x1;
	[dreg:$0x2] =	wrdreg s5  }
0xab: {  	[dreg:$0x3] =	wrdreg s7  }
0xac: {  	[dreg:$0x4] =	wrdreg $0xC0  }
0xad: {  	_ =	task [dreg:s9], $0x5FFFF  }
0xae: {  	[dreg:$0x1] =	wrdreg $0xFFFFFFFF  }
0xaf: {  	[dreg:$0x0] =	wrdreg $0x60  }
0xb0: {  	[dreg:$0x2] =	wrdreg s2  }
0xb1: {  	[dreg:$0x3] =	wrdreg s18  }
0xb2: {  	[dreg:$0x4] =	wrdreg s4  }
0xb3: {  	[dreg:$0x5] =	wrdreg s24  }
0xb4: {  	[dreg:$0x6] =	wrdreg $0x9  }
0xb5: {  	_ =	task.clear_ibuf [dreg:s9], $0x7FFFF;
	_ =	strace $0x90000046  }
0xb6: {  	s29 =	simm.s32 $0x9;
	_ =	strace $0x80000048  }
0xb7: {  	_ =	swait.ge [sflag:s29], $0x1  }
0xb8: {  	[sflag:s29] =	ssyncadd.s32 $0xFFFFFFFF  }
0xb9: {  	_ =	strace $0x90000048  }
0xba: {  	_ =	sfence  }
0xbb: {  	s30 =	sld [smem:$0x0];
	_ =	sdelay $0x2  }
0xbc: {  	s31 =	sshll.u32 s1, $0xD;
	s1 =	sshrl.u32 s1, $0x2  }
0xbd: {  	s3 =	sand.u32 $0x4000, s31;
	s1 =	sadd.s32 s1, s30  }
0xbe: {  	s0 =	sor.u32 s3, s0;
	s1 =	sshll.u32 s1, $0x11  }
0xbf: {  	s0 =	sor.u32 s1, s0  }
0xc0: {  	s0 =	sadd.s32 $0x8F2B, s0  }
0xc1: {  	[sflag:s0] =	ssyncadd.remote.s32 $0x1  }
0xc2: {  	_ =	sfence.sel $0xFFFF  }
0xc3: {  	[dreg:$0x0] =	wrdreg $0xFFFFFFFF;
	(pc) =	sbr.abs _section_cstart, $3  }
0xc4: {  	[dreg:$0x1] =	wrdreg $0xFFFFFFFF  }
0xc5: {  	_ =	task.clear_ibuf [dreg:s9], $0x2FFFF;
	_ =	strace $0x9FFFFFFF  }
0xc6: {  	(tm) =	ssettm $0x7FFFFFFF  }
0xc7: {  	_ =	shalt  }
tec
execute0_lowered:
.L_overlay_start_1:
0x0: {  	(tag) =	ssettag $0x1  }
0x1: {  	s3 =	rddreg [dreg:$0x0]  }
0x2: {  	s4 =	rddreg [dreg:$0x1]  }
0x3: {  	s5 =	rddreg [dreg:$0x2]  }
0x4: {  	s6 =	rddreg [dreg:$0x3]  }
0x5: {  	s0 =	rddreg [dreg:$0x4]  }
0x6: {  	s7 =	srdreg.scid;
	s1 =	stileid.u32  }
0x7: {  	s2 =	simm.s32 $0x0;
	s11 =	simm.s32 $0x10000;
	s12 =	simm.s32 $0x1  }
0x8: {  	s13 =	simm.s32 $0x18010;
	s14 =	simm.s32 $0x1A010;
	s15 =	simm.s32 $0x1C010  }
0x9: {  	s16 =	simm.s32 $0x2;
	s7 =	sand.u32 $0x1, s7;
	s8 =	sshll.u32 s1, $0x1  }
0xa: {  	s17 =	simm.s32 $0x0;
	[smem:$0x7FF] =	sst s2;
	s8 =	sor.u32 s7, s8  }
0xb: {  	s7 =	ssub.s32 $0x2, s7;
	_ =	strace $0x80000047;
	s9 =	sshll.u32 s8, $0xA  }
0xc: {  	s10 =	sshrl.u32 s7, $0x1;
	s31 =	sshll.u32 s8, $0xC;
	s9 =	sadd.s32 s9, s6  }
0xd: {  	s10 =	ssub.s32 s7, s10;
	s3 =	sadd.s32 s3, s31;
	s4 =	sadd.s32 s4, s31  }
0xe: {  	s5 =	sadd.s32 s5, s31;
	s6 =	sadd.s32 $0x400, s9;
	s7 =	sadd.s32 $0x8400, s9  }
0xf: {  	v0 =	vimm.s32 $0x0;
	v1 =	vimm.f32 $0.0e+00;
	s8 =	sadd.s32 $0x10400, s9;
	s9 =	smax.u32 s10, $0x1;
	s10 =	simm.s32 $0x8000  }
.LBB2_1:
0x10: {  	[tilespmem:s2], [sflag:$0x1] =	stream.linear.gather [hbm4b:s3+s2], $0x8000, $0x38;
	[tilespmem:$0x1E010] =	vst v63  }
0x11: {  	_ = 	snop  }
0x12: {  	[tilespmem:s10], [sflag:$0x1] =	stream.linear.gather [hbm4b:s4+s2], $0x8000, $0x38;
	[tilespmem:$0x1E010] =	vst v63  }
0x13: {  	_ = 	snop  }
0x14: {  	[tilespmem:s11], [sflag:$0x1] =	stream.linear.gather [hbm4b:s5+s2], $0x8000, $0x38;
	[tilespmem:$0x1E010] =	vst v63  }
0x15: {  	s20 =	simm.s32 $0x18030;
	[tilespmem:$0x18000] =	vst v0  }
0x16: {  	s18 =	simm.s32 $0x1A030;
	[tilespmem:s20+$0xFFFFFFE0] =	vst v1  }
0x17: {  	s19 =	simm.s32 $0x1C030;
	[tilespmem:s18+$0xFFFFFFE0] =	vst v1  }
0x18: {  	[tilespmem:s19+$0xFFFFFFE0] =	vst v1  }
0x19: {  	[tilespmem:s20+$0xFFFFFFF0] =	vst v1  }
0x1a: {  	[tilespmem:s18+$0xFFFFFFF0] =	vst v1  }
0x1b: {  	[tilespmem:s19+$0xFFFFFFF0] =	vst v1  }
0x1c: {  	[tilespmem:s20+$0x0] =	vst v1  }
0x1d: {  	[tilespmem:s18+$0x0] =	vst v1  }
0x1e: {  	[tilespmem:s19+$0x0] =	vst v1  }
0x1f: {  	[tilespmem:s20+$0x10] =	vst v1  }
0x20: {  	[tilespmem:s18+$0x10] =	vst v1  }
0x21: {  	s21 =	simm.s32 $0x18070;
	s20 =	simm.s32 $0x0;
	[tilespmem:s19+$0x10] =	vst v1  }
.LBB2_2:
0x22: {  	[tilespmem:s21+$0xFFFFFFE0] =	vst v1;
	s18 =	sadd.s32 $0x40, s18  }
0x23: {  	s19 =	sadd.s32 $0x40, s19;
	[tilespmem:s18+$0xFFFFFFE0] =	vst v1  }
0x24: {  	[tilespmem:s19+$0xFFFFFFE0] =	vst v1  }
0x25: {  	[tilespmem:s21+$0xFFFFFFF0] =	vst v1  }
0x26: {  	[tilespmem:s18+$0xFFFFFFF0] =	vst v1  }
0x27: {  	s20 =	sadd.s32 $0x4, s20;
	[tilespmem:s19+$0xFFFFFFF0] =	vst v1  }
0x28: {  	p0 =	slt.u32 s20, $0x1FC;
	[tilespmem:s21+$0x0] =	vst v1  }
.Ltmp0:
0x29: {  	[tilespmem:s18+$0x0] =	vst v1;
	(pc) =	sbr.rel @p0 .LBB2_2-.Ltmp0, $4  }
0x2a: {  	[tilespmem:s19+$0x0] =	vst v1  }
0x2b: {  	[tilespmem:s21+$0x10] =	vst v1  }
0x2c: {  	[tilespmem:s18+$0x10] =	vst v1  }
0x2d: {  	s21 =	sadd.s32 $0x40, s21;
	[tilespmem:s19+$0x10] =	vst v1  }
0x2e: {  	_ =	swait.ge [sflag:s12], $0x8000  }
0x2f: {  	[sflag:s12] =	ssyncset.done $0x0  }
0x30: {  	[sflag:s12] =	ssyncadd.s32 $0xFFFF8000  }
0x31: {  	_ =	swait.ge [sflag:s12], $0x8000  }
0x32: {  	[sflag:s12] =	ssyncset.done $0x0  }
0x33: {  	[sflag:s12] =	ssyncadd.s32 $0xFFFF8000  }
0x34: {  	_ =	swait.ge [sflag:s12], $0x8000  }
0x35: {  	[sflag:s12] =	ssyncset.done $0x0  }
0x36: {  	s18 =	simm.s32 $0xFFFFFFFC;
	[sflag:s12] =	ssyncadd.s32 $0xFFFF8000  }
0x37: {  	v3 =	vimm.f32 $0.0e+00;
	s19 =	simm.s32 $0x10040;
	s20 =	simm.s32 $0x8020;
	s21 =	simm.s32 $0x20;
	v4 =	vimm.f32 $0.0e+00;
	v5 =	vimm.f32 $0.0e+00;
	v2 =	vld [tilespmem:$0x10000]  }
.LBB2_4:
0x38: {  	v6 =	vld [tilespmem:s19+$0xFFFFFFD0];
	_ =	sdelay $0x1  }
0x39: {  	v7 =	vld [tilespmem:s21+$0xFFFFFFE0]  }
0x3a: {  	v8 =	vld [tilespmem:s20+$0xFFFFFFE0];
	_ =	sdelay $0x1  }
0x3b: {  	vm0 =	vne.s32 v2, v6;
	_ =	sdelay $0x1  }
0x3c: {  	v9 =	vmul.f32 v7, v7  }
0x3d: {  	v10 =	vmul.f32 v8, v8  }
0x3e: {  	v7 =	vmul.f32 v8, v7;
	v5 =	vadd.f32 v9, v5  }
0x3f: {  	v4 =	vadd.f32 v10, v4  }
0x40: {  	v3 =	vadd.f32 v7, v3;
	[tilespmem:v2+s13+$0x0] =	vst.idx.add.f32.msk vm0, v5  }
0x41: {  	[tilespmem:v2+s14+$0x0] =	vst.idx.add.f32.msk vm0, v4  }
0x42: {  	[tilespmem:v2+s15+$0x0] =	vst.idx.add.f32.msk vm0, v3  }
0x43: {  	v2 =	vld [tilespmem:s19+$0xFFFFFFE0];
	_ =	sdelay $0x1  }
0x44: {  	v7 =	vld [tilespmem:s21+$0xFFFFFFF0]  }
0x45: {  	v55 =	vld [tilespmem:s20+$0xFFFFFFF0];
	_ =	sdelay $0x1  }
0x46: {  	vm1 =	vne.s32 v6, v2;
	_ =	sdelay $0x1  }
0x47: {  	v56 =	vmul.f32 v7, v7  }
0x48: {  	v5 =	vsel vm0, $0x0, v5;
	v57 =	vmul.f32 v55, v55  }
0x49: {  	v4 =	vsel vm0, $0x0, v4;
	v7 =	vmul.f32 v55, v7;
	v5 =	vadd.f32 v56, v5  }
0x4a: {  	v3 =	vsel vm0, $0x0, v3;
	v4 =	vadd.f32 v57, v4  }
0x4b: {  	v3 =	vadd.f32 v7, v3;
	[tilespmem:v6+s13+$0x0] =	vst.idx.add.f32.msk vm1, v5  }
0x4c: {  	[tilespmem:v6+s14+$0x0] =	vst.idx.add.f32.msk vm1, v4  }
0x4d: {  	[tilespmem:v6+s15+$0x0] =	vst.idx.add.f32.msk vm1, v3  }
0x4e: {  	v6 =	vld [tilespmem:s19+$0xFFFFFFF0];
	_ =	sdelay $0x1  }
0x4f: {  	v7 =	vld [tilespmem:s21+$0x0]  }
0x50: {  	v58 =	vld [tilespmem:s20+$0x0];
	_ =	sdelay $0x1  }
0x51: {  	vm14 =	vne.s32 v2, v6;
	_ =	sdelay $0x1  }
0x52: {  	v59 =	vmul.f32 v7, v7  }
0x53: {  	v5 =	vsel vm1, $0x0, v5;
	v60 =	vmul.f32 v58, v58  }
0x54: {  	v4 =	vsel vm1, $0x0, v4;
	v7 =	vmul.f32 v58, v7;
	v5 =	vadd.f32 v59, v5  }
0x55: {  	v3 =	vsel vm1, $0x0, v3;
	v4 =	vadd.f32 v60, v4  }
0x56: {  	v3 =	vadd.f32 v7, v3;
	[tilespmem:v2+s13+$0x0] =	vst.idx.add.f32.msk vm14, v5  }
0x57: {  	[tilespmem:v2+s14+$0x0] =	vst.idx.add.f32.msk vm14, v4  }
0x58: {  	[tilespmem:v2+s15+$0x0] =	vst.idx.add.f32.msk vm14, v3  }
0x59: {  	v2 =	vld [tilespmem:s19+$0x0];
	_ =	sdelay $0x1  }
0x5a: {  	v7 =	vld [tilespmem:s21+$0x10]  }
0x5b: {  	v61 =	vld [tilespmem:s20+$0x10];
	_ =	sdelay $0x1  }
0x5c: {  	vm15 =	vne.s32 v6, v2;
	_ =	sdelay $0x1  }
0x5d: {  	s18 =	sadd.s32 $0x4, s18;
	v62 =	vmul.f32 v7, v7  }
0x5e: {  	p0 =	slt.u32 s18, $0x7FC;
	v5 =	vsel vm14, $0x0, v5;
	v63 =	vmul.f32 v61, v61  }
.Ltmp1:
0x5f: {  	v4 =	vsel vm14, $0x0, v4;
	v7 =	vmul.f32 v61, v7;
	v5 =	vadd.f32 v62, v5;
	(pc) =	sbr.rel @p0 .LBB2_4-.Ltmp1, $4  }
0x60: {  	v3 =	vsel vm14, $0x0, v3;
	v4 =	vadd.f32 v63, v4  }
0x61: {  	v3 =	vadd.f32 v7, v3;
	[tilespmem:v6+s13+$0x0] =	vst.idx.add.f32.msk vm15, v5  }
0x62: {  	[tilespmem:v6+s14+$0x0] =	vst.idx.add.f32.msk vm15, v4  }
0x63: {  	s19 =	sadd.s32 $0x40, s19;
	s20 =	sadd.s32 $0x40, s20;
	s21 =	sadd.s32 $0x40, s21;
	v5 =	vsel vm15, $0x0, v5;
	v4 =	vsel vm15, $0x0, v4;
	[tilespmem:v6+s15+$0x0] =	vst.idx.add.f32.msk vm15, v3;
	v3 =	vsel vm15, $0x0, v3  }
0x64: {  	_ =	sdelay $0x3  }
0x65: {  	[tilespmem:v2+s13+$0x0] =	vst.idx.add.f32.msk $0xffff, v5  }
0x66: {  	[tilespmem:v2+s14+$0x0] =	vst.idx.add.f32.msk $0xffff, v4  }
0x67: {  	[tilespmem:v2+s15+$0x0] =	vst.idx.add.f32.msk $0xffff, v3  }
0x68: {  	[hbm4b:s6+s2] =	stream.linear.scatter [tilespmem:s13], [sflag:$0x2], $0x2000, $0x38;
	[tilespmem:$0x1E010] =	vst v63  }
0x69: {  	_ =	swait.ge [sflag:s16], $0x2000  }
0x6a: {  	[sflag:s16] =	ssyncset.done $0x0  }
0x6b: {  	[sflag:s16] =	ssyncadd.s32 $0xFFFFE000  }
0x6c: {  	[hbm4b:s7+s2] =	stream.linear.scatter [tilespmem:s14], [sflag:$0x2], $0x2000, $0x38;
	[tilespmem:$0x1E010] =	vst v63  }
0x6d: {  	s17 =	sadd.s32 $0x1, s17;
	_ =	swait.ge [sflag:s16], $0x2000  }
0x6e: {  	p0 =	sne.s32 s17, s9;
	[sflag:s16] =	ssyncset.done $0x0  }
.Ltmp2:
0x6f: {  	[sflag:s16] =	ssyncadd.s32 $0xFFFFE000;
	(pc) =	sbr.rel @p0 .LBB2_1-.Ltmp2, $4  }
0x70: {  	[hbm4b:s8+s2] =	stream.linear.scatter [tilespmem:s15], [sflag:$0x2], $0x2000, $0x38;
	[tilespmem:$0x1E010] =	vst v63  }
0x71: {  	_ =	swait.ge [sflag:s16], $0x2000  }
0x72: {  	[sflag:s16] =	ssyncset.done $0x0  }
0x73: {  	[sflag:s16] =	ssyncadd.s32 $0xFFFFE000  }
0x74: {  	_ =	sfence.sel $0x180000  }
0x75: {  	[bflag:$0x0] =	sbarrier.arrive $0xFFFF  }
0x76: {  	p0 =	sne.s32 s1, $0x0;
	_ =	strace $0x90000047  }
0x77: {  	s0 =	sadd.s32 @!p0 $0x100000, s0;
	[bflag:$0x2] =	sbarrier.arrive $0xFFFF  }
0x78: {  	[sflag:s0] =	ssyncadd.tile.s32 @!p0 $0x1;
	_ =	shalt  }
.Lfunc_end2:
_tile_overlayer_lowered:
.L_overlay_start_2:
0x79: {  	(tag) =	ssettag $0x2  }
0x7a: {  	s0 =	rddreg [dreg:$0x0];
	s2 =	stileid.u32  }
0x7b: {  	s1 =	rddreg [dreg:$0x1];
	p0 =	sne.s32 s2, $0x0  }
0x7c: {  	s3 =	rddreg [dreg:$0x2];
	[bflag:$0x3] =	sbarrier.arrive $0xFFFF;
	s2 =	simm.s32 @!p0 $0x1C02  }
0x7d: {  	[timem:s3], [sflag:s2] =	dma.local @!p0 [hbm:s0], s1  }
0x7e: {  	s0 =	simm.s32 @!p0 $0x2  }
0x7f: {  	_ =	swait.ge @!p0 [sflag:s0], s1  }
0x80: {  	s1 =	ssub.s32 @!p0 $0x0, s1;
	[sflag:s0] =	ssyncset.done @!p0 $0x0  }
0x81: {  	[sflag:s0] =	ssyncadd.s32 @!p0 s1  }
0x82: {  	[bflag:$0x3] =	sbarrier.arrive $0xFFFF  }
0x83: {  	_ =	shalt  }

</sc_bundles>
